<compile_context>
chip_gen: v7x
topology: tpu7x:2x2x1
jax: 0.10.2.dev20260603
libtpu: 0.0.44.dev20260713+nightly
codegen_flags: <defaults>
</compile_context>

<pallas_src>
import functools

import jax
import jax.numpy as jnp
from jax import lax
from jax.experimental import pallas as pl
from jax.experimental.pallas import tpu as pltpu
from jax.experimental.pallas import tpu_sc as plsc

N = 10000
EDGES = 320000
IN_F = 128
H1F = 64
H2F = 32
NG = 64
NT = 2

NC = 2
NS = 16
NW = NC * NS
LANES = 16

NPAD = 10240
CHUNK = 128
NCHTOT = 2560
EPAD = NCHTOT * CHUNK
RPT = NPAD // NS
ROWBLK = 2048
NROWBLK = NPAD // ROWBLK

PROP_SPLIT = (104, 56)
DEG_SPLIT = (104, 56)

_HIGH = lax.Precision.HIGHEST


def _sc_mesh():
    return plsc.VectorSubcoreMesh(core_axis_name="c", subcore_axis_name="s")


def _deg_body(dst_hbm, out_hbm, dstv, degv):
    cid = lax.axis_index("c")
    sid = lax.axis_index("s")
    wid = sid * NC + cid
    zeros = jnp.zeros((LANES,), jnp.float32)

    def zb(i, carry):
        degv[pl.ds(i * LANES, LANES)] = zeros
        return carry

    lax.fori_loop(0, NPAD // LANES, zb, 0)

    ones = jnp.ones((LANES,), jnp.float32)
    per_chunk = CHUNK // LANES

    def run(base, nch):
        pltpu.sync_copy(dst_hbm.at[pl.ds(base, nch)], dstv.at[pl.ds(0, nch)])

        def eb(i, carry):
            c = i // per_chunk
            k = i % per_chunk
            idx = dstv[c, pl.ds(k * LANES, LANES)]
            plsc.addupdate_scatter(degv, [idx], ones)
            return carry

        lax.fori_loop(0, nch * per_chunk, eb, 0)

    n0, n1 = DEG_SPLIT

    @pl.when(cid == 0)
    def _():
        run(sid * n0, n0)

    @pl.when(cid != 0)
    def _():
        run(NS * n0 + sid * n1, n1)

    pltpu.sync_copy(degv, out_hbm.at[wid])


@jax.jit
def _deg_call(dstp):
    fn = functools.partial(
        pl.kernel,
        out_type=jax.ShapeDtypeStruct((NW, NPAD), jnp.float32),
        mesh=_sc_mesh(),
        scratch_types=[
            pltpu.VMEM((max(DEG_SPLIT), CHUNK), jnp.int32),
            pltpu.VMEM((NPAD,), jnp.float32),
        ],
        compiler_params=pltpu.CompilerParams(
            needs_layout_passes=False, use_tc_tiling_on_sc=False),
    )(_deg_body)
    return fn(dstp)


def _make_prop(F):
    def body(h_hbm, src_hbm, dst_hbm, out_hbm,
             srcv, dstv, buf0, buf1, buf2, buf3, acc,
             gs0, gs1, gs2, gs3, ss0, ss1, ss2, ss3):
        cid = lax.axis_index("c")
        sid = lax.axis_index("s")
        rlo = sid * RPT

        @pl.when(cid == 0)
        def _():
            pltpu.sync_copy(h_hbm.at[pl.ds(rlo, RPT)], acc.at[pl.ds(rlo, RPT)])

        @pl.when(cid != 0)
        def _():
            zeros = jnp.zeros((LANES,), jnp.float32)
            for r in range(CHUNK):
                for c in range(F // LANES):
                    buf0[r, pl.ds(c * LANES, LANES)] = zeros
            for p in range(RPT // CHUNK):
                pltpu.sync_copy(buf0, acc.at[pl.ds(rlo + p * CHUNK, CHUNK)])

        plsc.subcore_barrier()

        bufs = (buf0, buf1, buf2, buf3)
        gsems = (gs0, gs1, gs2, gs3)
        ssems = (ss0, ss1, ss2, ss3)

        def run(base, nch):
            pltpu.sync_copy(src_hbm.at[pl.ds(base, nch)], srcv.at[pl.ds(0, nch)])
            pltpu.sync_copy(dst_hbm.at[pl.ds(base, nch)], dstv.at[pl.ds(0, nch)])

            pltpu.async_copy(h_hbm.at[srcv.at[0]], bufs[0], gsems[0])
            pltpu.async_copy(h_hbm.at[srcv.at[1]], bufs[1], gsems[1])

            def step(k, carry):
                for b in range(4):
                    j = k * 4 + b
                    nb = (b + 2) % 4
                    jm2 = jnp.maximum(j - 2, 0)

                    def drain_and_prefetch():
                        pltpu.make_async_copy(
                            bufs[nb], acc.at[dstv.at[jm2]], ssems[nb]
                        ).wait()
                        pltpu.async_copy(
                            h_hbm.at[srcv.at[j + 2]], bufs[nb], gsems[nb])

                    if b < 2:
                        @pl.when(k > 0)
                        def _():
                            drain_and_prefetch()

                        @pl.when(k == 0)
                        def _():
                            pltpu.async_copy(
                                h_hbm.at[srcv.at[j + 2]], bufs[nb], gsems[nb])
                    else:
                        pltpu.make_async_copy(
                            bufs[nb], acc.at[dstv.at[jm2]], ssems[nb]
                        ).wait()

                        @pl.when(k < nch // 4 - 1)
                        def _():
                            pltpu.async_copy(
                                h_hbm.at[srcv.at[j + 2]], bufs[nb], gsems[nb])

                    pltpu.make_async_copy(
                        h_hbm.at[srcv.at[j]], bufs[b], gsems[b]).wait()
                    pltpu.async_copy(bufs[b], acc.at[dstv.at[j]], ssems[b],
                                     add=True)
                return carry

            lax.fori_loop(0, nch // 4, step, 0)
            pltpu.make_async_copy(
                bufs[2], acc.at[dstv.at[nch - 2]], ssems[2]).wait()
            pltpu.make_async_copy(
                bufs[3], acc.at[dstv.at[nch - 1]], ssems[3]).wait()

        n0, n1 = PROP_SPLIT

        @pl.when(cid == 0)
        def _():
            run(sid * n0, n0)

        @pl.when(cid != 0)
        def _():
            run(NS * n0 + sid * n1, n1)

        plsc.subcore_barrier()
        pltpu.sync_copy(acc.at[pl.ds(rlo, RPT)], out_hbm.at[cid, pl.ds(rlo, RPT)])

    @jax.jit
    def call(h, srcp, dstp):
        fn = functools.partial(
            pl.kernel,
            out_type=jax.ShapeDtypeStruct((NC, NPAD, F), jnp.float32),
            mesh=_sc_mesh(),
            scratch_types=(
                [pltpu.VMEM((max(PROP_SPLIT), CHUNK), jnp.int32)] * 2
                + [pltpu.VMEM((CHUNK, F), jnp.float32)] * 4
                + [pltpu.VMEM_SHARED((NPAD, F), jnp.float32)]
                + [pltpu.SemaphoreType.DMA] * 8
            ),
            compiler_params=pltpu.CompilerParams(
                needs_layout_passes=False, use_tc_tiling_on_sc=False),
        )(body)
        return fn(h, srcp, dstp)

    return call


_prop64 = _make_prop(H1F)
_prop32 = _make_prop(H2F)


def _b_body(degp_ref, x_ref, w1_ref, dis_ref, h1p_ref):
    s = lax.dot_general(degp_ref[...], jnp.ones((NW, 1), jnp.float32),
                        (((0,), (0,)), ((), ())), precision=_HIGH)
    dis = lax.rsqrt(s + 1.0)
    h = lax.dot_general(x_ref[...], w1_ref[...], (((1,), (0,)), ((), ())))
    dis_ref[...] = dis
    h1p_ref[...] = h * dis


@jax.jit
def _b_call(degp, xp, w1):
    return pl.pallas_call(
        _b_body,
        grid=(NROWBLK,),
        in_specs=[
            pl.BlockSpec((NW, ROWBLK), lambda i: (0, i)),
            pl.BlockSpec((ROWBLK, IN_F), lambda i: (i, 0)),
            pl.BlockSpec((IN_F, H1F), lambda i: (0, 0)),
        ],
        out_specs=[
            pl.BlockSpec((ROWBLK, 1), lambda i: (i, 0)),
            pl.BlockSpec((ROWBLK, H1F), lambda i: (i, 0)),
        ],
        out_shape=[
            jax.ShapeDtypeStruct((NPAD, 1), jnp.float32),
            jax.ShapeDtypeStruct((NPAD, H1F), jnp.float32),
        ],
    )(degp, xp, w1)


def _d_body(s_ref, dis_ref, b1_ref, w2_ref, h2p_ref):
    dis = dis_ref[...]
    s = s_ref[...]
    u = (s[0] + s[1]) * dis + b1_ref[...]
    z = jnp.where(u >= 0, u, 0.01 * u)
    h = lax.dot_general(z, w2_ref[...], (((1,), (0,)), ((), ())))
    h2p_ref[...] = h * dis


@jax.jit
def _d_call(s1, dis, b1, w2):
    return pl.pallas_call(
        _d_body,
        grid=(NROWBLK,),
        in_specs=[
            pl.BlockSpec((NC, ROWBLK, H1F), lambda i: (0, i, 0)),
            pl.BlockSpec((ROWBLK, 1), lambda i: (i, 0)),
            pl.BlockSpec((1, H1F), lambda i: (0, 0)),
            pl.BlockSpec((H1F, H2F), lambda i: (0, 0)),
        ],
        out_specs=pl.BlockSpec((ROWBLK, H2F), lambda i: (i, 0)),
        out_shape=jax.ShapeDtypeStruct((NPAD, H2F), jnp.float32),
    )(s1, dis, b1, w2)


def _f_body(s_ref, dis_ref, b2_ref, batch_ref, wlin_ref, blin_ref,
            out_ref, gsum, gcnt):
    i = pl.program_id(0)

    @pl.when(i == 0)
    def _():
        gsum[...] = jnp.zeros_like(gsum)
        gcnt[...] = jnp.zeros_like(gcnt)

    dis = dis_ref[...]
    s = s_ref[...]
    u = (s[0] + s[1]) * dis + b2_ref[...]
    z = jnp.where(u >= 0, u, 0.01 * u)
    gids = lax.broadcasted_iota(jnp.int32, (ROWBLK, NG), 1)
    m = (batch_ref[...] == gids).astype(jnp.float32)
    gsum[...] += lax.dot_general(m, z, (((0,), (0,)), ((), ())),
                                 precision=_HIGH)
    gcnt[...] += lax.dot_general(m, jnp.ones((ROWBLK, 1), jnp.float32),
                                 (((0,), (0,)), ((), ())), precision=_HIGH)

    @pl.when(i == NROWBLK - 1)
    def _():
        g = gsum[...] / jnp.maximum(gcnt[...], 1.0)
        out_ref[...] = lax.dot_general(g, wlin_ref[...],
                                       (((1,), (0,)), ((), ()))) + blin_ref[...]


@jax.jit
def _f_call(s2, dis, b2, batchp, wlin, blin):
    return pl.pallas_call(
        _f_body,
        grid=(NROWBLK,),
        in_specs=[
            pl.BlockSpec((NC, ROWBLK, H2F), lambda i: (0, i, 0)),
            pl.BlockSpec((ROWBLK, 1), lambda i: (i, 0)),
            pl.BlockSpec((1, H2F), lambda i: (0, 0)),
            pl.BlockSpec((ROWBLK, 1), lambda i: (i, 0)),
            pl.BlockSpec((H2F, NT), lambda i: (0, 0)),
            pl.BlockSpec((1, NT), lambda i: (0, 0)),
        ],
        out_specs=pl.BlockSpec((NG, NT), lambda i: (0, 0)),
        out_shape=jax.ShapeDtypeStruct((NG, NT), jnp.float32),
        scratch_shapes=[
            pltpu.VMEM((NG, H2F), jnp.float32),
            pltpu.VMEM((NG, 1), jnp.float32),
        ],
    )(s2, dis, b2, batchp, wlin, blin)


def kernel(x, edge_index, batch, W1, b1, W2, b2, Wlin, blin):
    src = edge_index[0]
    dst = edge_index[1]
    pad = jnp.full((EPAD - EDGES,), N, jnp.int32)
    srcp = jnp.concatenate([src, pad]).reshape(NCHTOT, CHUNK)
    dstp = jnp.concatenate([dst, pad]).reshape(NCHTOT, CHUNK)
    xp = jnp.pad(x, ((0, NPAD - N), (0, 0)))
    batchp = jnp.pad(batch, (0, NPAD - N), constant_values=NG).reshape(NPAD, 1)

    degp = _deg_call(dstp)
    dis, h1p = _b_call(degp, xp, W1)
    s1 = _prop64(h1p, srcp, dstp)
    h2p = _d_call(s1, dis, b1.reshape(1, H1F), W2)
    s2 = _prop32(h2p, srcp, dstp)
    return _f_call(s2, dis, b2.reshape(1, H2F), batchp,
                   Wlin, blin.reshape(1, NT))

# --- scband reference (transcript-rebuilt; emitter-appended) ---
"""Pipeline reference for scband-gcn-14697378087275 (READ-ONLY COPY).

The authoritative reference and input builder live on the scoring server;
editing this copy changes nothing except your own understanding.
"""

import jax, jax.numpy as jnp
import numpy as np

N = 10000
E = 320000
IN_FEAT = 128
H_FEAT = 64
H2 = H_FEAT // 2
NUM_GRAPHS = 64
NUM_TARGETS = 2


def setup_inputs(seed: int = 0) -> dict:
    key = jax.random.key(seed)
    ks = jax.random.split(key, 10)
    x = jax.random.normal(ks[0], (N, IN_FEAT), dtype=jnp.float32)
    edge_index = jax.random.randint(ks[1], (2, E), 0, N, dtype=jnp.int32)
    batch = jnp.sort(jax.random.randint(ks[2], (N,), 0, NUM_GRAPHS, dtype=jnp.int32))
    W1 = jax.random.normal(ks[3], (IN_FEAT, H_FEAT), dtype=jnp.float32) / np.sqrt(IN_FEAT)
    b1 = jnp.zeros((H_FEAT,), dtype=jnp.float32)
    W2 = jax.random.normal(ks[4], (H_FEAT, H2), dtype=jnp.float32) / np.sqrt(H_FEAT)
    b2 = jnp.zeros((H2,), dtype=jnp.float32)
    Wlin = jax.random.normal(ks[5], (H2, NUM_TARGETS), dtype=jnp.float32) / np.sqrt(H2)
    blin = jnp.zeros((NUM_TARGETS,), dtype=jnp.float32)
    return {"x": x, "edge_index": edge_index, "batch": batch,
            "W1": W1, "b1": b1, "W2": W2, "b2": b2, "Wlin": Wlin, "blin": blin}


def gcn_conv(x, edge_index, W, b, num_nodes):
    # GCNConv: symmetric-normalized adjacency with self-loops, linear first.
    h = x @ W
    loops = jnp.arange(num_nodes, dtype=edge_index.dtype)
    src = jnp.concatenate([edge_index[0], loops])
    dst = jnp.concatenate([edge_index[1], loops])
    ones = jnp.ones_like(src, dtype=h.dtype)
    deg = jnp.zeros((num_nodes,), dtype=h.dtype).at[dst].add(ones)
    deg_inv_sqrt = jnp.where(deg > 0, deg ** -0.5, 0.0)
    norm = deg_inv_sqrt[src] * deg_inv_sqrt[dst]
    msgs = h[src] * norm[:, None]
    out = jax.ops.segment_sum(msgs, dst, num_segments=num_nodes)
    return out + b


def global_mean_pool(x, batch, num_graphs):
    sums = jax.ops.segment_sum(x, batch, num_segments=num_graphs)
    counts = jax.ops.segment_sum(jnp.ones((x.shape[0],), dtype=x.dtype), batch, num_segments=num_graphs)
    return sums / jnp.maximum(counts, 1.0)[:, None]


def reference(x, edge_index, batch, W1, b1, W2, b2, Wlin, blin):
    num_nodes = x.shape[0]
    h = gcn_conv(x, edge_index, W1, b1, num_nodes)
    h = jax.nn.leaky_relu(h, negative_slope=0.01)
    h = gcn_conv(h, edge_index, W2, b2, num_nodes)
    h = jax.nn.leaky_relu(h, negative_slope=0.01)
    g = global_mean_pool(h, batch, NUM_GRAPHS)
    # dropout p=0.5 is identity in eval mode
    out = g @ Wlin + blin
    return out

if __name__ == "__main__":
    import jax
    _d = setup_inputs()
    print(jax.jit(kernel)(*tuple(_d.values())))

</pallas_src>

<mosaic_0001>
#map = affine_map<(d0, d1) -> (0, 0)>
module attributes {stable_mosaic.version = 14 : i64} {
  func.func @_deg_body(%arg0: i32, %arg1: i32, %arg2: memref<2560x128xi32, #tpu.memory_space<hbm>>, %arg3: memref<32x10240xf32, #tpu.memory_space<hbm>>, %arg4: memref<104x128xi32, #tpu.memory_space<vmem>>, %arg5: memref<10240xf32, #tpu.memory_space<vmem>>) attributes {dimension_semantics = [#tpu.dimension_semantics<core_parallel>, #tpu.dimension_semantics<subcore_parallel>], iteration_bounds = array<i64: 2, 16>, scalar_prefetch = 0 : i64, scratch_operands = 2 : i64, tpu.core_type = #tpu.core_type<sc_vector_subcore>, window_params = [{transform_indices = #map}, {transform_indices = #map}]} {
    %mul3A = arith.constant 2 : i32
    %mul3A_0 = arith.muli %arg1, %mul3A : i32
    %add3A = arith.addi %mul3A_0, %arg0 : i32
    %broadcast_in_dim3A = arith.constant 0.000000e+00 : f32
    %broadcast_in_dim3A_1 = vector.broadcast %broadcast_in_dim3A : f32 to vector<16xf32>
    %scan3A = arith.constant 0 : i32
    %scan3A_2 = arith.constant 0 : i32
    %scan3A_3 = arith.constant 640 : i32
    %scan3A_4 = arith.addi %scan3A_2, %scan3A_3 : i32
    %scan3A_5 = arith.constant 1 : i32
    scf.for %scan3A_15 = %scan3A_2 to %scan3A_4 step %scan3A_5  : i32 {
      %mul3A_16 = arith.constant 16 : i32
      %mul3A_17 = arith.muli %scan3A_15, %mul3A_16 : i32
      %swap3A = arith.index_cast %mul3A_17 : i32 to index
      %swap3A_18 = tpu.vector_load %arg5[%swap3A] {strides = array<i32>} : memref<10240xf32, #tpu.memory_space<vmem>>, vector<16xf32>,
      tpu.vector_store %arg5[%swap3A], %broadcast_in_dim3A_1 {strides = array<i32>} : memref<10240xf32, #tpu.memory_space<vmem>>, vector<16xf32>,
    }
    %scan3A_6 = arith.constant 640 : i32
    %broadcast_in_dim3A_7 = arith.constant 1.000000e+00 : f32
    %broadcast_in_dim3A_8 = vector.broadcast %broadcast_in_dim3A_7 : f32 to vector<16xf32>
    %eq3A = arith.constant 0 : i32
    %eq3A_9 = arith.cmpi eq, %arg0, %eq3A : i32
    %convert_element_type3A = arith.extui %eq3A_9 : i1 to i32
    %cond3A = arith.constant 0 : i32
    %cond3A_10 = arith.cmpi ne, %convert_element_type3A, %cond3A : i32
    scf.if %cond3A_10 {
      %mul3A_15 = arith.constant 104 : i32
      %mul3A_16 = arith.muli %arg1, %mul3A_15 : i32
      "tpu.region"() ({
        %run_scoped3A = tpu.sem_alloc : memref<!tpu.dma_semaphore, #tpu.memory_space<semaphore_mem>>
        %dma_start3A = arith.constant 0 : i32
        %dma_start3A_23 = arith.constant 0 : i32
        %dma_start3A_24 = tpu.memref_slice %arg4[%dma_start3A, %dma_start3A_23] : memref<104x128xi32, #tpu.memory_space<vmem>> -> memref<104x128xi32, #tpu.memory_space<vmem>>
        %dma_start3A_25 = arith.constant 0 : i32
        %dma_start3A_26 = tpu.memref_slice %arg2[%mul3A_16, %dma_start3A_25] : memref<2560x128xi32, #tpu.memory_space<hbm>> -> memref<104x128xi32, #tpu.memory_space<hbm>>
        %dma_start3A_27 = arith.constant 0 : i32
        %dma_start3A_28 = arith.constant 0 : i32
        %dma_start3A_29 = tpu.memref_slice %arg4[%dma_start3A_27, %dma_start3A_28] : memref<104x128xi32, #tpu.memory_space<vmem>> -> memref<104x128xi32, #tpu.memory_space<vmem>>
        %dma_start3A_30 = arith.constant 0 : i32
        %dma_start3A_31 = tpu.memref_slice %arg2[%mul3A_16, %dma_start3A_30] : memref<2560x128xi32, #tpu.memory_space<hbm>> -> memref<104x128xi32, #tpu.memory_space<hbm>>
        tpu.enqueue_dma source(%dma_start3A_31 : memref<104x128xi32, #tpu.memory_space<hbm>>) target(%dma_start3A_29 : memref<104x128xi32, #tpu.memory_space<vmem>>) target_semaphore(%run_scoped3A : memref<!tpu.dma_semaphore, #tpu.memory_space<semaphore_mem>>)
        %dma_wait3A = arith.constant 0 : i32
        %dma_wait3A_32 = arith.constant 0 : i32
        %dma_wait3A_33 = tpu.memref_slice %arg4[%dma_wait3A, %dma_wait3A_32] : memref<104x128xi32, #tpu.memory_space<vmem>> -> memref<104x128xi32, #tpu.memory_space<vmem>>
        %dma_wait3A_34 = arith.constant 0 : i32
        %dma_wait3A_35 = tpu.memref_slice %arg2[%mul3A_16, %dma_wait3A_34] : memref<2560x128xi32, #tpu.memory_space<hbm>> -> memref<104x128xi32, #tpu.memory_space<hbm>>
        %dma_wait3A_36 = arith.constant 0 : i32
        %dma_wait3A_37 = arith.constant 0 : i32
        %dma_wait3A_38 = tpu.memref_slice %arg4[%dma_wait3A_36, %dma_wait3A_37] : memref<104x128xi32, #tpu.memory_space<vmem>> -> memref<104x128xi32, #tpu.memory_space<vmem>>
        %dma_wait3A_39 = arith.constant 0 : i32
        %dma_wait3A_40 = tpu.memref_slice %arg2[%mul3A_16, %dma_wait3A_39] : memref<2560x128xi32, #tpu.memory_space<hbm>> -> memref<104x128xi32, #tpu.memory_space<hbm>>
        tpu.wait_dma2 semaphore(%run_scoped3A : memref<!tpu.dma_semaphore, #tpu.memory_space<semaphore_mem>>) src(%dma_wait3A_40 : memref<104x128xi32, #tpu.memory_space<hbm>>) dst(%dma_wait3A_38 : memref<104x128xi32, #tpu.memory_space<vmem>>)
        tpu.yield
      }) : () -> ()
      %scan3A_17 = arith.constant 0 : i32
      %scan3A_18 = arith.constant 0 : i32
      %scan3A_19 = arith.constant 832 : i32
      %scan3A_20 = arith.addi %scan3A_18, %scan3A_19 : i32
      %scan3A_21 = arith.constant 1 : i32
      scf.for %scan3A_23 = %scan3A_18 to %scan3A_20 step %scan3A_21  : i32 {
        %jit3A = arith.constant 8 : i32
        %div3A = arith.divsi %scan3A_23, %jit3A : i32
        %sign3A = arith.constant 0 : i32
        %sign3A_24 = arith.cmpi sgt, %scan3A_23, %sign3A : i32
        %sign3A_25 = arith.extui %sign3A_24 : i1 to i32
        %sign3A_26 = arith.constant 0 : i32
        %sign3A_27 = arith.cmpi slt, %scan3A_23, %sign3A_26 : i32
        %sign3A_28 = arith.extui %sign3A_27 : i1 to i32
        %sign3A_29 = arith.subi %sign3A_25, %sign3A_28 : i32
        %sign3A_30 = arith.constant 0 : i32
        %sign3A_31 = arith.cmpi sgt, %jit3A, %sign3A_30 : i32
        %sign3A_32 = arith.extui %sign3A_31 : i1 to i32
        %sign3A_33 = arith.constant 0 : i32
        %sign3A_34 = arith.cmpi slt, %jit3A, %sign3A_33 : i32
        %sign3A_35 = arith.extui %sign3A_34 : i1 to i32
        %sign3A_36 = arith.subi %sign3A_32, %sign3A_35 : i32
        %ne3A_37 = arith.cmpi ne, %sign3A_29, %sign3A_36 : i32
        %rem3A = arith.remsi %scan3A_23, %jit3A : i32
        %ne3A_38 = arith.constant 0 : i32
        %ne3A_39 = arith.cmpi ne, %rem3A, %ne3A_38 : i32
        %and3A = arith.andi %ne3A_37, %ne3A_39 : i1
        %sub3A = arith.constant 1 : i32
        %sub3A_40 = arith.subi %div3A, %sub3A : i32
        %select_n3A = arith.select %and3A, %sub3A_40, %div3A : i32
        %jit3A_41 = arith.constant 8 : i32
        %eq3A_42 = arith.constant 0 : i32
        %eq3A_43 = arith.cmpi eq, %jit3A_41, %eq3A_42 : i32
        %jit3A_44 = arith.constant 1 : i32
        %select_n3A_45 = arith.select %eq3A_43, %jit3A_44, %jit3A_41 : i32
        %rem3A_46 = arith.remsi %scan3A_23, %select_n3A_45 : i32
        %ne3A_47 = arith.constant 0 : i32
        %ne3A_48 = arith.cmpi ne, %rem3A_46, %ne3A_47 : i32
        %lt3A = arith.constant 0 : i32
        %lt3A_49 = arith.cmpi slt, %rem3A_46, %lt3A : i32
        %lt3A_50 = arith.constant 0 : i32
        %lt3A_51 = arith.cmpi slt, %select_n3A_45, %lt3A_50 : i32
        %ne3A_52 = arith.xori %lt3A_49, %lt3A_51 : i1
        %and3A_53 = arith.andi %ne3A_52, %ne3A_48 : i1
        %add3A_54 = arith.addi %rem3A_46, %select_n3A_45 : i32
        %select_n3A_55 = arith.select %and3A_53, %add3A_54, %rem3A_46 : i32
        %mul3A_56 = arith.constant 16 : i32
        %mul3A_57 = arith.muli %select_n3A_55, %mul3A_56 : i32
        %get3A = arith.index_cast %select_n3A : i32 to index
        %get3A_58 = arith.index_cast %mul3A_57 : i32 to index
        %get3A_59 = tpu.vector_load %arg4[%get3A, %get3A_58] {strides = array<i32>} : memref<104x128xi32, #tpu.memory_space<vmem>>, vector<16xi32>,
        tpu.vector_store_idx %arg5[%get3A_59], %broadcast_in_dim3A_8 {add = true} : memref<10240xf32, #tpu.memory_space<vmem>>[vector<16xi32>], vector<16xf32>,
      }
      %scan3A_22 = arith.constant 832 : i32
    } else {
    }
    %ne3A = arith.constant 0 : i32
    %ne3A_11 = arith.cmpi ne, %arg0, %ne3A : i32
    %convert_element_type3A_12 = arith.extui %ne3A_11 : i1 to i32
    %cond3A_13 = arith.constant 0 : i32
    %cond3A_14 = arith.cmpi ne, %convert_element_type3A_12, %cond3A_13 : i32
    scf.if %cond3A_14 {
      %mul3A_15 = arith.constant 56 : i32
      %mul3A_16 = arith.muli %arg1, %mul3A_15 : i32
      %add3A_17 = arith.constant 1664 : i32
      %add3A_18 = arith.addi %add3A_17, %mul3A_16 : i32
      "tpu.region"() ({
        %run_scoped3A = tpu.sem_alloc : memref<!tpu.dma_semaphore, #tpu.memory_space<semaphore_mem>>
        %dma_start3A = arith.constant 0 : i32
        %dma_start3A_25 = arith.constant 0 : i32
        %dma_start3A_26 = tpu.memref_slice %arg4[%dma_start3A, %dma_start3A_25] : memref<104x128xi32, #tpu.memory_space<vmem>> -> memref<56x128xi32, #tpu.memory_space<vmem>>
        %dma_start3A_27 = arith.constant 0 : i32
        %dma_start3A_28 = tpu.memref_slice %arg2[%add3A_18, %dma_start3A_27] : memref<2560x128xi32, #tpu.memory_space<hbm>> -> memref<56x128xi32, #tpu.memory_space<hbm>>
        %dma_start3A_29 = arith.constant 0 : i32
        %dma_start3A_30 = arith.constant 0 : i32
        %dma_start3A_31 = tpu.memref_slice %arg4[%dma_start3A_29, %dma_start3A_30] : memref<104x128xi32, #tpu.memory_space<vmem>> -> memref<56x128xi32, #tpu.memory_space<vmem>>
        %dma_start3A_32 = arith.constant 0 : i32
        %dma_start3A_33 = tpu.memref_slice %arg2[%add3A_18, %dma_start3A_32] : memref<2560x128xi32, #tpu.memory_space<hbm>> -> memref<56x128xi32, #tpu.memory_space<hbm>>
        tpu.enqueue_dma source(%dma_start3A_33 : memref<56x128xi32, #tpu.memory_space<hbm>>) target(%dma_start3A_31 : memref<56x128xi32, #tpu.memory_space<vmem>>) target_semaphore(%run_scoped3A : memref<!tpu.dma_semaphore, #tpu.memory_space<semaphore_mem>>)
        %dma_wait3A = arith.constant 0 : i32
        %dma_wait3A_34 = arith.constant 0 : i32
        %dma_wait3A_35 = tpu.memref_slice %arg4[%dma_wait3A, %dma_wait3A_34] : memref<104x128xi32, #tpu.memory_space<vmem>> -> memref<56x128xi32, #tpu.memory_space<vmem>>
        %dma_wait3A_36 = arith.constant 0 : i32
        %dma_wait3A_37 = tpu.memref_slice %arg2[%add3A_18, %dma_wait3A_36] : memref<2560x128xi32, #tpu.memory_space<hbm>> -> memref<56x128xi32, #tpu.memory_space<hbm>>
        %dma_wait3A_38 = arith.constant 0 : i32
        %dma_wait3A_39 = arith.constant 0 : i32
        %dma_wait3A_40 = tpu.memref_slice %arg4[%dma_wait3A_38, %dma_wait3A_39] : memref<104x128xi32, #tpu.memory_space<vmem>> -> memref<56x128xi32, #tpu.memory_space<vmem>>
        %dma_wait3A_41 = arith.constant 0 : i32
        %dma_wait3A_42 = tpu.memref_slice %arg2[%add3A_18, %dma_wait3A_41] : memref<2560x128xi32, #tpu.memory_space<hbm>> -> memref<56x128xi32, #tpu.memory_space<hbm>>
        tpu.wait_dma2 semaphore(%run_scoped3A : memref<!tpu.dma_semaphore, #tpu.memory_space<semaphore_mem>>) src(%dma_wait3A_42 : memref<56x128xi32, #tpu.memory_space<hbm>>) dst(%dma_wait3A_40 : memref<56x128xi32, #tpu.memory_space<vmem>>)
        tpu.yield
      }) : () -> ()
      %scan3A_19 = arith.constant 0 : i32
      %scan3A_20 = arith.constant 0 : i32
      %scan3A_21 = arith.constant 448 : i32
      %scan3A_22 = arith.addi %scan3A_20, %scan3A_21 : i32
      %scan3A_23 = arith.constant 1 : i32
      scf.for %scan3A_25 = %scan3A_20 to %scan3A_22 step %scan3A_23  : i32 {
        %jit3A = arith.constant 8 : i32
        %div3A = arith.divsi %scan3A_25, %jit3A : i32
        %sign3A = arith.constant 0 : i32
        %sign3A_26 = arith.cmpi sgt, %scan3A_25, %sign3A : i32
        %sign3A_27 = arith.extui %sign3A_26 : i1 to i32
        %sign3A_28 = arith.constant 0 : i32
        %sign3A_29 = arith.cmpi slt, %scan3A_25, %sign3A_28 : i32
        %sign3A_30 = arith.extui %sign3A_29 : i1 to i32
        %sign3A_31 = arith.subi %sign3A_27, %sign3A_30 : i32
        %sign3A_32 = arith.constant 0 : i32
        %sign3A_33 = arith.cmpi sgt, %jit3A, %sign3A_32 : i32
        %sign3A_34 = arith.extui %sign3A_33 : i1 to i32
        %sign3A_35 = arith.constant 0 : i32
        %sign3A_36 = arith.cmpi slt, %jit3A, %sign3A_35 : i32
        %sign3A_37 = arith.extui %sign3A_36 : i1 to i32
        %sign3A_38 = arith.subi %sign3A_34, %sign3A_37 : i32
        %ne3A_39 = arith.cmpi ne, %sign3A_31, %sign3A_38 : i32
        %rem3A = arith.remsi %scan3A_25, %jit3A : i32
        %ne3A_40 = arith.constant 0 : i32
        %ne3A_41 = arith.cmpi ne, %rem3A, %ne3A_40 : i32
        %and3A = arith.andi %ne3A_39, %ne3A_41 : i1
        %sub3A = arith.constant 1 : i32
        %sub3A_42 = arith.subi %div3A, %sub3A : i32
        %select_n3A = arith.select %and3A, %sub3A_42, %div3A : i32
        %jit3A_43 = arith.constant 8 : i32
        %eq3A_44 = arith.constant 0 : i32
        %eq3A_45 = arith.cmpi eq, %jit3A_43, %eq3A_44 : i32
        %jit3A_46 = arith.constant 1 : i32
        %select_n3A_47 = arith.select %eq3A_45, %jit3A_46, %jit3A_43 : i32
        %rem3A_48 = arith.remsi %scan3A_25, %select_n3A_47 : i32
        %ne3A_49 = arith.constant 0 : i32
        %ne3A_50 = arith.cmpi ne, %rem3A_48, %ne3A_49 : i32
        %lt3A = arith.constant 0 : i32
        %lt3A_51 = arith.cmpi slt, %rem3A_48, %lt3A : i32
        %lt3A_52 = arith.constant 0 : i32
        %lt3A_53 = arith.cmpi slt, %select_n3A_47, %lt3A_52 : i32
        %ne3A_54 = arith.xori %lt3A_51, %lt3A_53 : i1
        %and3A_55 = arith.andi %ne3A_54, %ne3A_50 : i1
        %add3A_56 = arith.addi %rem3A_48, %select_n3A_47 : i32
        %select_n3A_57 = arith.select %and3A_55, %add3A_56, %rem3A_48 : i32
        %mul3A_58 = arith.constant 16 : i32
        %mul3A_59 = arith.muli %select_n3A_57, %mul3A_58 : i32
        %get3A = arith.index_cast %select_n3A : i32 to index
        %get3A_60 = arith.index_cast %mul3A_59 : i32 to index
        %get3A_61 = tpu.vector_load %arg4[%get3A, %get3A_60] {strides = array<i32>} : memref<104x128xi32, #tpu.memory_space<vmem>>, vector<16xi32>,
        tpu.vector_store_idx %arg5[%get3A_61], %broadcast_in_dim3A_8 {add = true} : memref<10240xf32, #tpu.memory_space<vmem>>[vector<16xi32>], vector<16xf32>,
      }
      %scan3A_24 = arith.constant 448 : i32
    } else {
    }
    "tpu.region"() ({
      %run_scoped3A = tpu.sem_alloc : memref<!tpu.dma_semaphore, #tpu.memory_space<semaphore_mem>>
      %dma_start3A = arith.constant 0 : i32
      %dma_start3A_15 = tpu.memref_slice %arg3[%add3A, %dma_start3A] : memref<32x10240xf32, #tpu.memory_space<hbm>> -> memref<1x10240xf32, #tpu.memory_space<hbm>>
      %dma_start3A_16 = tpu.memref_squeeze %dma_start3A_15 : memref<1x10240xf32, #tpu.memory_space<hbm>> -> memref<10240xf32, #tpu.memory_space<hbm>>
      %dma_start3A_17 = arith.constant 0 : i32
      %dma_start3A_18 = tpu.memref_slice %arg3[%add3A, %dma_start3A_17] : memref<32x10240xf32, #tpu.memory_space<hbm>> -> memref<1x10240xf32, #tpu.memory_space<hbm>>
      %dma_start3A_19 = tpu.memref_squeeze %dma_start3A_18 : memref<1x10240xf32, #tpu.memory_space<hbm>> -> memref<10240xf32, #tpu.memory_space<hbm>>
      tpu.enqueue_dma source(%arg5 : memref<10240xf32, #tpu.memory_space<vmem>>) target(%dma_start3A_19 : memref<10240xf32, #tpu.memory_space<hbm>>) target_semaphore(%run_scoped3A : memref<!tpu.dma_semaphore, #tpu.memory_space<semaphore_mem>>)
      %dma_wait3A = arith.constant 0 : i32
      %dma_wait3A_20 = tpu.memref_slice %arg3[%add3A, %dma_wait3A] : memref<32x10240xf32, #tpu.memory_space<hbm>> -> memref<1x10240xf32, #tpu.memory_space<hbm>>
      %dma_wait3A_21 = tpu.memref_squeeze %dma_wait3A_20 : memref<1x10240xf32, #tpu.memory_space<hbm>> -> memref<10240xf32, #tpu.memory_space<hbm>>
      %dma_wait3A_22 = arith.constant 0 : i32
      %dma_wait3A_23 = tpu.memref_slice %arg3[%add3A, %dma_wait3A_22] : memref<32x10240xf32, #tpu.memory_space<hbm>> -> memref<1x10240xf32, #tpu.memory_space<hbm>>
      %dma_wait3A_24 = tpu.memref_squeeze %dma_wait3A_23 : memref<1x10240xf32, #tpu.memory_space<hbm>> -> memref<10240xf32, #tpu.memory_space<hbm>>
      tpu.wait_dma2 semaphore(%run_scoped3A : memref<!tpu.dma_semaphore, #tpu.memory_space<semaphore_mem>>) src(%arg5 : memref<10240xf32, #tpu.memory_space<vmem>>) dst(%dma_wait3A_24 : memref<10240xf32, #tpu.memory_space<hbm>>)
      tpu.yield
    }) : () -> ()
    return
  }
}

</mosaic_0001>

<sc_bundles>
// kernel: _deg_call.3.cloned.1.call-start
scs
__scs_entry_jumppad:
0x0: {  	(pc) =	sbr.rel $0x88, $3  }
0x1: {  	(tag) =	ssettag $0x0;
	lr =	simm.s32 $0x1  }
0x2: {  	[smem:$0x3FA0] =	sst lr;
	_ =	strace $0xD0000000  }
0x3: {  	_ = 	snop  }
0x4: {  	_ = 	snop  }
0x5: {  	_ = 	snop  }
0x6: {  	_ = 	snop  }
0x7: {  	_ = 	snop  }
__scs_overlays_trampoline_lowered:
0x8: {  	[smem:$0x3FAF] =	sst s0  }
0x9: {  	[smem:$0x3FB0] =	sst s1  }
0xa: {  	[smem:$0x3FB1] =	sst s2  }
0xb: {  	[smem:$0x3FB2] =	sst s3  }
0xc: {  	[smem:$0x3FB3] =	sst s4  }
0xd: {  	[smem:$0x3FB4] =	sst s5  }
0xe: {  	[smem:$0x3FB5] =	sst s6  }
0xf: {  	[smem:$0x3FB6] =	sst s7  }
0x10: {  	[smem:$0x3FB7] =	sst s8  }
0x11: {  	[smem:$0x3FB8] =	sst s9;
	s0 =	simm.s32 @!p0 $0x0  }
0x12: {  	s1 =	sld [smem:$0x3F9E];
	s0 =	simm.s32 @p0 $0x1  }
0x13: {  	[smem:$0x3FB9] =	sst s0;
	s0 =	simm.s32 @!p1 $0x0  }
0x14: {  	s2 =	sld [smem:$0x3F9D];
	s0 =	simm.s32 @p1 $0x1  }
0x15: {  	[smem:$0x3FBA] =	sst s0;
	s0 =	simm.s32 @!p2 $0x0  }
0x16: {  	s3 =	sld [smem:$0x3FDB];
	s0 =	simm.s32 @p2 $0x1  }
0x17: {  	s4 =	simm.s32 $0x1BF5;
	[smem:$0x3FBC] =	sst s0  }
0x18: {  	s0 =	sld [smem:$0x3F9F];
	_ =	swait.ge [sflag:s4], $0x0  }
0x19: {  	s7 =	sld [smem:$0x3FA0]  }
0x1a: {  	s8 =	sadd.s32 $0xFFFFE003, lr  }
0x1b: {  	s9 =	sadd.s32 $0xFFFFFEF7, lr;
	s5 =	simm.s32 $0xFFFFFFFF;
	p2 =	slt.u32 s8, $0xFFFFF086  }
0x1c: {  	p1 =	slt.u32 s9, $0xF7A;
	s5 =	simm.s32 @!p2 $0x0  }
0x1d: {  	s5 =	simm.s32 @p1 $0x1;
	p0 =	seq.s32 s7, s2  }
0x1e: {  	s7 =	smul.u32 @!p0 $0xF7A, s2;
	p2 =	seq.s32 @!p0 s5, $0x0  }
0x1f: {  	s9 =	smul.u32 $0xF7A, s1;
	s8 =	simm.s32 @!p0 $0x1BF5;
	p2 =	por !p2, p0  }
0x20: {  	[sflag:s8] =	ssyncset.s32 @!p0 $0xFFFFF086;
	s6 =	sadd.s32 @!p0 s3, s7;
	s7 =	simm.s32 @!p0 $0x108  }
0x21: {  	s3 =	sadd.s32 s3, s9;
	s6 =	sadd.s32 @!p0 $0x88, s6;
	s7 =	simm.s32 @p2 $0x1082  }
0x22: {  	[simem:s7], [sflag:s8] =	dma.local @!p0 [hbm:s6], $0xF7A  }
0x23: {  	s9 =	sor.u32 $0xD0000000, s2;
	s6 =	simm.s32 $0x108;
	_ =	swait.ge @!p0 [sflag:s8], $0x0  }
0x24: {  	s3 =	sadd.s32 $0x88, s3;
	s6 =	simm.s32 @!p1 $0x1082;
	[sflag:s4] =	ssyncset.s32 $0xFFFFF086  }
0x25: {  	[simem:s6], [sflag:s4] =	dma.local [hbm:s3], $0xF7A  }
0x26: {  	[smem:$0x3FA0] =	sst s1;
	(tag) =	ssettag s2;
	_ =	strace s9  }
0x27: {  	s1 =	sld [smem:$0x3FB0]  }
0x28: {  	s2 =	sld [smem:$0x3FB1]  }
0x29: {  	s4 =	sld [smem:$0x3FB3]  }
0x2a: {  	p0 =	seq.s32 s5, $0x0;
	s5 =	sld [smem:$0x3FB4]  }
0x2b: {  	s6 =	sld [smem:$0x3FB5]  }
0x2c: {  	s7 =	sld [smem:$0x3FB6]  }
0x2d: {  	s3 =	simm.s32 $0x108;
	s8 =	sld [smem:$0x3FB7]  }
0x2e: {  	s3 =	simm.s32 @!p0 $0x1082;
	s9 =	sld [smem:$0x3FB8]  }
0x2f: {  	lr =	sadd.s32 s0, s3;
	s0 =	sld [smem:$0x3FAF]  }
0x30: {  	s3 =	sld [smem:$0x3FB2]  }
0x31: {  	[smem:$0x3FBB] =	sst s10  }
0x32: {  	s10 =	sld [smem:$0x3FB9];
	_ =	sdelay $0x3  }
0x33: {  	p0 =	seq.s32 s10, $0x1;
	s10 =	sld [smem:$0x3FBB];
	_ =	sdelay $0x3  }
0x34: {  	[smem:$0x3FBB] =	sst s10  }
0x35: {  	s10 =	sld [smem:$0x3FBA];
	_ =	sdelay $0x3  }
0x36: {  	p1 =	seq.s32 s10, $0x1;
	s10 =	sld [smem:$0x3FBB];
	_ =	sdelay $0x3  }
0x37: {  	[smem:$0x3FBB] =	sst s10  }
0x38: {  	s10 =	sld [smem:$0x3FBC]  }
0x39: {  	_ = 	snop;
	(pc) =	sbr.ind lr, $3  }
0x3a: {  	_ = 	snop  }
0x3b: {  	_ = 	snop  }
0x3c: {  	p2 =	seq.s32 s10, $0x1;
	s10 =	sld [smem:$0x3FBB]  }
0x3d: {  	_ =	shalt  }
0x3e: {  	_ =	shalt  }
0x3f: {  	_ =	shalt  }
0x40: {  	_ =	shalt  }
0x41: {  	_ =	shalt  }
0x42: {  	_ =	shalt  }
0x43: {  	_ =	shalt  }
0x44: {  	_ =	shalt  }
0x45: {  	_ =	shalt  }
0x46: {  	_ =	shalt  }
0x47: {  	_ =	shalt  }
0x48: {  	_ =	shalt  }
0x49: {  	_ =	shalt  }
0x4a: {  	_ =	shalt  }
0x4b: {  	_ =	shalt  }
0x4c: {  	_ =	shalt  }
0x4d: {  	_ =	shalt  }
0x4e: {  	_ =	shalt  }
0x4f: {  	_ =	shalt  }
0x50: {  	_ =	shalt  }
0x51: {  	_ =	shalt  }
0x52: {  	_ =	shalt  }
0x53: {  	_ =	shalt  }
0x54: {  	_ =	shalt  }
0x55: {  	_ =	shalt  }
0x56: {  	_ =	shalt  }
0x57: {  	_ =	shalt  }
0x58: {  	_ =	shalt  }
0x59: {  	_ =	shalt  }
0x5a: {  	_ =	shalt  }
0x5b: {  	_ =	shalt  }
0x5c: {  	_ =	shalt  }
0x5d: {  	_ =	shalt  }
0x5e: {  	_ =	shalt  }
0x5f: {  	_ =	shalt  }
0x60: {  	_ =	shalt  }
0x61: {  	_ =	shalt  }
0x62: {  	_ =	shalt  }
0x63: {  	_ =	shalt  }
0x64: {  	_ =	shalt  }
0x65: {  	_ =	shalt  }
0x66: {  	_ =	shalt  }
0x67: {  	_ =	shalt  }
0x68: {  	_ =	shalt  }
0x69: {  	_ =	shalt  }
0x6a: {  	_ =	shalt  }
0x6b: {  	_ =	shalt  }
0x6c: {  	_ =	shalt  }
0x6d: {  	_ =	shalt  }
0x6e: {  	_ =	shalt  }
0x6f: {  	_ =	shalt  }
0x70: {  	_ =	shalt  }
0x71: {  	_ =	shalt  }
0x72: {  	_ =	shalt  }
0x73: {  	_ =	shalt  }
0x74: {  	_ =	shalt  }
0x75: {  	_ =	shalt  }
0x76: {  	_ =	shalt  }
0x77: {  	_ =	shalt  }
0x78: {  	_ =	shalt  }
0x79: {  	_ =	shalt  }
0x7a: {  	_ =	shalt  }
0x7b: {  	_ =	shalt  }
0x7c: {  	_ =	shalt  }
0x7d: {  	_ =	shalt  }
0x7e: {  	_ =	shalt  }
0x7f: {  	_ =	shalt  }
0x80: {  	_ =	shalt  }
0x81: {  	_ =	shalt  }
0x82: {  	_ =	shalt  }
0x83: {  	_ =	shalt  }
0x84: {  	_ =	shalt  }
0x85: {  	_ =	shalt  }
0x86: {  	_ =	shalt  }
0x87: {  	_ =	shalt  }
.Lfunc_end0:
.L_simem_size_0:
called_computation_lowered:
.L_overlay_start_0:
0x88: {  	s2 =	sld [smem:$0x3FD9]  }
0x89: {  	s3 =	sld [smem:$0x3FFE];
	_ =	sdelay $0x1  }
0x8a: {  	s1 =	srdreg.scid  }
0x8b: {  	s0 =	sand.u32 $0x1, s1  }
0x8c: {  	s17 =	sshll.u32 s0, $0xA;
	s2 =	sadd.s32 s3, s2  }
0x8d: {  	s2 =	sadd.s32 s2, s17  }
0x8e: {  	[smem:$0x3FC7] =	sst s2  }
0x8f: {  	_ = 	snop  }
0x90: {  	s2 =	sld [smem:$0x3FC9];
	(tm) =	ssettm $0x1  }
0x91: {  	s18 =	sld [smem:$0x3FFB];
	_ =	sdelay $0x3  }
0x92: {  	_ =	strace s18  }
0x93: {  	s3 =	sld [smem:$0x3FFC];
	_ =	sdelay $0x3  }
0x94: {  	_ =	strace s3  }
0x95: {  	s3 =	sld [smem:$0x3FFD];
	_ =	sdelay $0x3  }
0x96: {  	_ =	strace s3  }
0x97: {  	_ =	strace $0x8FFFFFFF  }
0x98: {  	s19 =	sld [smem:$0x3FDB];
	_ =	sdelay $0x1  }
0x99: {  	s4 =	simm.s32 $_scs_section_size  }
0x9a: {  	s5 =	simm.s32 $_size__tile_overlayer_lowered;
	s6 =	simm.s32 $_tile_overlayer_lowered  }
0x9b: {  	s22 =	simm.s32 $0x1BFF;
	s21 =	sshll.u32 s6, $0x1;
	s3 =	sadd.s32 s4, s19  }
0x9c: {  	s7 =	simm.s32 $0x0;
	s20 =	sshll.u32 s5, $0x1;
	s5 =	sadd.s32 s21, s3  }
0x9d: {  	[timem:s7], [sflag:s22] =	dma.local [hbm:s5], s20  }
0x9e: {  	_ =	swait.ge [sflag:s22], s20  }
0x9f: {  	s4 =	ssub.s32 $0x0, s20;
	[sflag:s22] =	ssyncset.done $0x0  }
0xa0: {  	[sflag:s22] =	ssyncadd.s32 s4;
	_ =	sdelay $0x1  }
0xa1: {  	s23 =	simm.s32 $0x1B8B  }
0xa2: {  	_ =	swait.ge [sflag:s23], $0x1  }
0xa3: {  	[sflag:s23] =	ssyncset.done $0x0  }
0xa4: {  	s25 =	simm.s32 $0x1B8E;
	s24 =	sld [smem:$0x3FFE];
	[sflag:s23] =	ssyncadd.s32 $0xFFFFFFFF  }
0xa5: {  	s26 =	simm.s32 $execute0_lowered;
	[smem:$0x3FD2] =	sst s25  }
0xa6: {  	s5 =	sshll.u32 s26, $0x1;
	_ =	strace $0x80000046;
	[dreg:$0x1] =	wrdreg $0xFFFFFFFF  }
0xa7: {  	s28 =	simm.s32 $_size_execute0_lowered;
	s3 =	sadd.s32 s3, s5;
	[dreg:$0x0] =	wrdreg $0x0  }
0xa8: {  	s5 =	sshll.u32 s28, $0x1;
	[dreg:$0x2] =	wrdreg s3  }
0xa9: {  	[dreg:$0x3] =	wrdreg s5  }
0xaa: {  	[dreg:$0x4] =	wrdreg $0xC0  }
0xab: {  	_ =	task [dreg:s7], $0x5FFFF  }
0xac: {  	[dreg:$0x1] =	wrdreg $0xFFFFFFFF  }
0xad: {  	[dreg:$0x0] =	wrdreg $0x60  }
0xae: {  	[dreg:$0x2] =	wrdreg s2  }
0xaf: {  	[dreg:$0x3] =	wrdreg s24  }
0xb0: {  	[dreg:$0x4] =	wrdreg $0x9  }
0xb1: {  	_ =	task.clear_ibuf [dreg:s7], $0x5FFFF;
	_ =	strace $0x90000046  }
0xb2: {  	s29 =	simm.s32 $0x9;
	_ =	strace $0x80000048  }
0xb3: {  	_ =	swait.ge [sflag:s29], $0x1  }
0xb4: {  	[sflag:s29] =	ssyncadd.s32 $0xFFFFFFFF  }
0xb5: {  	_ =	strace $0x90000048  }
0xb6: {  	_ =	sfence  }
0xb7: {  	s30 =	sld [smem:$0x0];
	_ =	sdelay $0x2  }
0xb8: {  	s31 =	sshll.u32 s1, $0xD;
	s1 =	sshrl.u32 s1, $0x2  }
0xb9: {  	s3 =	sand.u32 $0x4000, s31;
	s1 =	sadd.s32 s1, s30  }
0xba: {  	s0 =	sor.u32 s3, s0;
	s1 =	sshll.u32 s1, $0x11  }
0xbb: {  	s0 =	sor.u32 s1, s0  }
0xbc: {  	s0 =	sadd.s32 $0x8F2B, s0  }
0xbd: {  	[sflag:s0] =	ssyncadd.remote.s32 $0x1  }
0xbe: {  	_ =	sfence.sel $0xFFFF  }
0xbf: {  	[dreg:$0x0] =	wrdreg $0xFFFFFFFF;
	(pc) =	sbr.abs _section_cstart, $3  }
0xc0: {  	[dreg:$0x1] =	wrdreg $0xFFFFFFFF  }
0xc1: {  	_ =	task.clear_ibuf [dreg:s7], $0x2FFFF;
	_ =	strace $0x9FFFFFFF  }
0xc2: {  	(tm) =	ssettm $0x7FFFFFFF  }
0xc3: {  	_ =	shalt  }
tec
execute0_lowered:
.L_overlay_start_1:
0x0: {  	(tag) =	ssettag $0x1  }
0x1: {  	s4 =	rddreg [dreg:$0x0]  }
0x2: {  	s3 =	rddreg [dreg:$0x1]  }
0x3: {  	s0 =	rddreg [dreg:$0x2]  }
0x4: {  	s5 =	srdreg.scid;
	s1 =	stileid.u32  }
0x5: {  	s2 =	simm.s32 $0x0;
	s7 =	sand.u32 $0x1, s5;
	s6 =	smul.u32 $0x1C00, s1  }
0x6: {  	s30 =	sshll.u32 s1, $0x1;
	[smem:$0x7FF] =	sst s2;
	s9 =	smul.u32 $0x680, s1  }
0x7: {  	s5 =	sor.u32 s7, s30;
	_ =	strace $0x80000047;
	s8 =	ssub.s32 $0x2, s7  }
.Ltmp0:
0x8: {  	p0 =	sne.s32 s7, $0x0;
	s7 =	simm.s32 $0x1;
	(pc) =	sbr.rel .LBB2_1-.Ltmp0, $4  }
0x9: {  	s5 =	smul.u32 $0x500, s5;
	s6 =	sshrl.u32 s6, $0x3;
	s31 =	sshrl.u32 s8, $0x1  }
0xa: {  	s6 =	sadd.s32 s4, s6;
	s8 =	ssub.s32 s8, s31;
	s4 =	sadd.s32 s4, s9  }
0xb: {  	s9 =	simm.s32 $0x0;
	s5 =	sadd.s32 s5, s3;
	s3 =	sadd.s32 $0x6800, s6  }
0xc: {  	v0 =	vimm.f32 $0.0e+00;
	v1 =	vimm.f32 $1.000000000e+00;
	s6 =	smax.u32 s8, $0x1;
	s8 =	simm.s32 $0x3400;
	s5 =	sadd.s32 $0x400, s5  }
.LBB2_9:
0xd: {  	_ =	sdelay $0x2  }
0xe: {  	s10 =	sand.u32 $0x70, s10;
	s11 =	sshrl.u32 s12, $0x2  }
0xf: {  	[tilespmem:v2+s8+$0x0] =	vst.idx.add.f32.msk $0xffff, v1;
	s10 =	sor.u32 s10, s11  }
0x10: {  	v2 =	vld [tilespmem:s10+$0x0];
	_ =	sdelay $0x7  }
0x11: {  	[tilespmem:v2+s8+$0x0] =	vst.idx.add.f32.msk $0xffff, v1  }
.LBB2_10:
0x12: {  	s9 =	sadd.s32 $0x1, s9  }
0x13: {  	p1 =	sne.s32 s9, s6  }
.Ltmp1:
0x14: {  	_ = 	snop;
	(pc) =	sbr.rel @!p1 .LBB2_11-.Ltmp1, $4  }
0x15: {  	[hbm4b:s5+s2] =	stream.linear.scatter [tilespmem:s8], [sflag:$0x1], $0x2800, $0x38;
	[tilespmem:$0x5C00] =	vst v63  }
0x16: {  	_ =	swait.ge [sflag:s7], $0x2800  }
0x17: {  	[sflag:s7] =	ssyncset.done $0x0  }
0x18: {  	[sflag:s7] =	ssyncadd.s32 $0xFFFFD800  }
.LBB2_1:
0x19: {  	s10 =	simm.s32 $0x40;
	s11 =	simm.s32 $0x0  }
.LBB2_2:
0x1a: {  	p1 =	sne.s32 s10, $0x9FC0;
	[tilespmem:s11+$0x3400] =	vst v0;
	s11 =	smov.u32 s10;
	s10 =	sadd.s32 $0x40, s10  }
.Ltmp2:
0x1b: {  	(pc) =	sbr.rel @p1 .LBB2_2-.Ltmp2, $2  }
0x1c: {  	_ =	sdelay $0x2  }
0x1d: {  	s11 =	sshra.s32 s11, $0x2  }
.Ltmp3:
0x1e: {  	(pc) =	sbr.rel @p0 .LBB2_7-.Ltmp3, $2  }
0x1f: {  	_ =	sdelay $0x2  }
0x20: {  	[tilespmem:s11+$0x3400] =	vst v0;
	s10 =	simm.s32 $0x0  }
0x21: {  	[tilespmem:s10], [sflag:$0x1] =	stream.linear.gather [hbm4b:s4+s10], $0x3400, $0x38;
	[tilespmem:$0x5C00] =	vst v63  }
0x22: {  	s11 =	sand.u32 $0xFE00, s10;
	_ =	swait.ge [sflag:s7], $0x3400  }
0x23: {  	s31 =	sand.u32 $0x70, s10;
	s11 =	sshrl.u32 s11, $0x2;
	[sflag:s7] =	ssyncset.done $0x0  }
0x24: {  	s10 =	sor.u32 s31, s11;
	[sflag:s7] =	ssyncadd.s32 $0xFFFFCC00  }
0x25: {  	v2 =	vld [tilespmem:s10+$0x0];
	_ =	sdelay $0x4  }
0x26: {  	s12 =	simm.s32 $0x40  }
0x27: {  	s12 =	sand.u32 $0xFE00, s12;
	s11 =	simm.s32 $0x80;
	s10 =	simm.s32 $0x10  }
.LBB2_5:
0x28: {  	p1 =	seq.s32 s11, $0xCFC0;
	s13 =	sand.u32 $0x70, s10;
	s12 =	sshrl.u32 s12, $0x2  }
0x29: {  	s12 =	sor.u32 s13, s12;
	[tilespmem:v2+s8+$0x0] =	vst.idx.add.f32.msk $0xffff, v1  }
0x2a: {  	v2 =	vld [tilespmem:s12+$0x0];
	_ =	sdelay $0x1  }
.Ltmp4:
0x2b: {  	(pc) =	sbr.rel @!p1 .LBB2_5-.Ltmp4, $2  }
0x2c: {  	_ =	sdelay $0x2  }
0x2d: {  	s10 =	sadd.s32 $0x10, s10;
	s12 =	sand.u32 $0xFE00, s11;
	s11 =	sadd.s32 $0x40, s11  }
0x2e: {  	_ =	sdelay $0x2  }
0x2f: {  	s10 =	sand.u32 $0x70, s10;
	s11 =	sshrl.u32 s12, $0x2  }
0x30: {  	[tilespmem:v2+s8+$0x0] =	vst.idx.add.f32.msk $0xffff, v1;
	s10 =	sor.u32 s10, s11  }
0x31: {  	v2 =	vld [tilespmem:s10+$0x0];
	_ =	sdelay $0x3  }
.Ltmp5:
0x32: {  	_ = 	snop;
	(pc) =	sbr.rel .LBB2_10-.Ltmp5, $2  }
0x33: {  	_ =	sdelay $0x2  }
0x34: {  	[tilespmem:v2+s8+$0x0] =	vst.idx.add.f32.msk $0xffff, v1  }
.LBB2_7:
0x35: {  	[tilespmem:s10], [sflag:$0x1] =	stream.linear.gather [hbm4b:s3+s10], $0x1C00, $0x38;
	[tilespmem:$0x5C00] =	vst v63  }
0x36: {  	s11 =	sand.u32 $0x7E00, s10;
	_ =	swait.ge [sflag:s7], $0x1C00  }
0x37: {  	s31 =	sand.u32 $0x70, s10;
	s11 =	sshrl.u32 s11, $0x2;
	[sflag:s7] =	ssyncset.done $0x0  }
0x38: {  	s10 =	sor.u32 s31, s11;
	[sflag:s7] =	ssyncadd.s32 $0xFFFFE400  }
0x39: {  	v2 =	vld [tilespmem:s10+$0x0];
	_ =	sdelay $0x4  }
0x3a: {  	s12 =	simm.s32 $0x40  }
0x3b: {  	s12 =	sand.u32 $0x7E00, s12;
	s11 =	simm.s32 $0x80;
	s10 =	simm.s32 $0x10  }
.LBB2_8:
0x3c: {  	p1 =	sne.s32 s11, $0x6FC0;
	s13 =	sand.u32 $0x70, s10;
	s12 =	sshrl.u32 s12, $0x2  }
0x3d: {  	s12 =	sor.u32 s13, s12;
	[tilespmem:v2+s8+$0x0] =	vst.idx.add.f32.msk $0xffff, v1  }
0x3e: {  	v2 =	vld [tilespmem:s12+$0x0];
	_ =	sdelay $0x1  }
.Ltmp6:
0x3f: {  	(pc) =	sbr.rel @p1 .LBB2_8-.Ltmp6, $2  }
0x40: {  	_ =	sdelay $0x2  }
0x41: {  	s10 =	sadd.s32 $0x10, s10;
	s12 =	sand.u32 $0x7E00, s11;
	s11 =	sadd.s32 $0x40, s11  }
.Ltmp7:
0x42: {  	_ = 	snop;
	(pc) =	sbr.rel .LBB2_9-.Ltmp7, $1  }
0x43: {  	_ =	sdelay $0x3  }
.LBB2_11:
0x44: {  	_ =	sfence.sel $0x180000  }
0x45: {  	[bflag:$0x0] =	sbarrier.arrive $0xFFFF  }
0x46: {  	p0 =	sne.s32 s1, $0x0;
	_ =	strace $0x90000047  }
0x47: {  	s0 =	sadd.s32 @!p0 $0x100000, s0;
	[bflag:$0x2] =	sbarrier.arrive $0xFFFF  }
0x48: {  	[sflag:s0] =	ssyncadd.tile.s32 @!p0 $0x1;
	_ =	shalt  }
.Lfunc_end2:
_tile_overlayer_lowered:
.L_overlay_start_2:
0x49: {  	(tag) =	ssettag $0x2  }
0x4a: {  	s0 =	rddreg [dreg:$0x0];
	s2 =	stileid.u32  }
0x4b: {  	s1 =	rddreg [dreg:$0x1];
	p0 =	sne.s32 s2, $0x0  }
0x4c: {  	s3 =	rddreg [dreg:$0x2];
	[bflag:$0x3] =	sbarrier.arrive $0xFFFF;
	s2 =	simm.s32 @!p0 $0x1C01  }
0x4d: {  	[timem:s3], [sflag:s2] =	dma.local @!p0 [hbm:s0], s1  }
0x4e: {  	s0 =	simm.s32 @!p0 $0x1  }
0x4f: {  	_ =	swait.ge @!p0 [sflag:s0], s1  }
0x50: {  	s1 =	ssub.s32 @!p0 $0x0, s1;
	[sflag:s0] =	ssyncset.done @!p0 $0x0  }
0x51: {  	[sflag:s0] =	ssyncadd.s32 @!p0 s1  }
0x52: {  	[bflag:$0x3] =	sbarrier.arrive $0xFFFF  }
0x53: {  	_ =	shalt  }

</sc_bundles>
